<compile_context>
chip_gen: v7x
topology: tpu7x:2x2x1
jax: 0.10.2.dev20260603
libtpu: 0.0.44.dev20260713+nightly
codegen_flags: <defaults>
</compile_context>

<pallas_src>
import functools

import jax
import jax.numpy as jnp
from jax import lax
from jax.experimental import pallas as pl
from jax.experimental.pallas import tpu as pltpu
from jax.experimental.pallas import tpu_sc as plsc

_NE = 16
_RK = 16
_HID = 256

_TB_GATE = 2048
_TB_MAIN = 1024

_SC_WORKERS = 32


def _gate_body(x_ref, w1_ref, b1_ref, w2_ref, out_ref):
    xb = x_ref[...].astype(jnp.bfloat16)
    h = jnp.tanh(
        jnp.dot(xb, w1_ref[...], preferred_element_type=jnp.float32) + b1_ref[...]
    )
    out_ref[...] = jnp.dot(
        h.astype(jnp.bfloat16), w2_ref[...], preferred_element_type=jnp.float32
    )


def _route_body(logits_hbm, comb_hbm, in_v, out_v):
    rows = in_v.shape[0]
    wid = lax.axis_index("c") * 16 + lax.axis_index("s")
    base = wid * rows
    pltpu.sync_copy(logits_hbm.at[pl.ds(base, rows)], in_v)

    @pl.loop(0, rows)
    def _(i):
        v = in_v[i]
        idx = lax.iota(jnp.int32, 16)
        m1 = jnp.max(v)
        i1 = jnp.min(jnp.where(v == m1, idx, 16))
        vm = jnp.where(idx == i1, -jnp.inf, v)
        m2 = jnp.max(vm)
        i2 = jnp.min(jnp.where(vm == m2, idx, 16))
        sel = (idx == i1) | (idx == i2)
        ex = jnp.exp(v - m1)
        num = jnp.where(sel, ex, 0.0)
        out_v[i] = num / jnp.sum(num)

    pltpu.sync_copy(out_v, comb_hbm.at[pl.ds(base, rows)])


def _main_body(x_ref, W_ref, b_ref, A_ref, B_ref, c_ref, M_ref, out_ref):
    rep = jnp.dot(c_ref[...], M_ref[...], preferred_element_type=jnp.float32)
    xb = x_ref[...].astype(jnp.bfloat16)
    hE = jnp.dot(xb, A_ref[...], preferred_element_type=jnp.float32)
    wh = (hE * rep).astype(jnp.bfloat16)
    acc = jnp.dot(xb, W_ref[...], preferred_element_type=jnp.float32)
    out_ref[...] = (
        acc
        + jnp.dot(wh, B_ref[...], preferred_element_type=jnp.float32)
        + b_ref[...]
    )


def kernel(x, gate_w1, gate_b1, gate_w2, base_W, base_b, lora_A, lora_B):
    T, D = x.shape

    logits = pl.pallas_call(
        _gate_body,
        grid=(T // _TB_GATE,),
        in_specs=[
            pl.BlockSpec((_TB_GATE, D), lambda i: (i, 0)),
            pl.BlockSpec((D, _HID), lambda i: (0, 0)),
            pl.BlockSpec((1, _HID), lambda i: (0, 0)),
            pl.BlockSpec((_HID, _NE), lambda i: (0, 0)),
        ],
        out_specs=pl.BlockSpec((_TB_GATE, _NE), lambda i: (i, 0)),
        out_shape=jax.ShapeDtypeStruct((T, _NE), jnp.float32),
        compiler_params=pltpu.CompilerParams(dimension_semantics=("parallel",)),
    )(
        x,
        gate_w1.astype(jnp.bfloat16),
        gate_b1.reshape(1, _HID),
        gate_w2.astype(jnp.bfloat16),
    )

    rows = T // _SC_WORKERS
    route = pl.kernel(
        _route_body,
        out_type=jax.ShapeDtypeStruct((T, _NE), jnp.float32),
        mesh=plsc.VectorSubcoreMesh(core_axis_name="c", subcore_axis_name="s"),
        scratch_types=[
            pltpu.VMEM((rows, _NE), jnp.float32),
            pltpu.VMEM((rows, _NE), jnp.float32),
        ],
        compiler_params=pltpu.CompilerParams(needs_layout_passes=False),
    )
    combine = route(logits)

    A2 = lora_A.transpose(1, 0, 2).reshape(D, _NE * _RK).astype(jnp.bfloat16)
    B2 = lora_B.reshape(_NE * _RK, D).astype(jnp.bfloat16)
    expand = jnp.kron(
        jnp.eye(_NE, dtype=jnp.float32), jnp.ones((1, _RK), jnp.float32)
    )

    out = pl.pallas_call(
        _main_body,
        grid=(T // _TB_MAIN,),
        in_specs=[
            pl.BlockSpec((_TB_MAIN, D), lambda i: (i, 0)),
            pl.BlockSpec((D, D), lambda i: (0, 0)),
            pl.BlockSpec((1, D), lambda i: (0, 0)),
            pl.BlockSpec((D, _NE * _RK), lambda i: (0, 0)),
            pl.BlockSpec((_NE * _RK, D), lambda i: (0, 0)),
            pl.BlockSpec((_TB_MAIN, _NE), lambda i: (i, 0)),
            pl.BlockSpec((_NE, _NE * _RK), lambda i: (0, 0)),
        ],
        out_specs=pl.BlockSpec((_TB_MAIN, D), lambda i: (i, 0)),
        out_shape=jax.ShapeDtypeStruct((T, D), jnp.float32),
        compiler_params=pltpu.CompilerParams(dimension_semantics=("parallel",)),
    )(x, base_W.astype(jnp.bfloat16), base_b.reshape(1, D), A2, B2, combine, expand)
    return out

# --- scband reference (transcript-rebuilt; emitter-appended) ---
"""Pipeline reference for scband-base-mo-elayer-20057497272793 (READ-ONLY COPY).

The authoritative reference and input builder live on the scoring server;
editing this copy changes nothing except your own understanding.
"""

import jax, jax.numpy as jnp
import numpy as np

T = 8192      # tokens (batch=4 * seq=2048)
D = 1024      # d_model (in_features == out_features)
H = 256       # gate dim_hid
E = 16        # num_experts
K = 2         # num_active (top-k)
R = 16        # LoRA expert rank


def setup_inputs(seed: int = 0) -> dict:
    key = jax.random.key(seed)
    ks = jax.random.split(key, 8)
    x = jax.random.normal(ks[0], (T, D), dtype=jnp.float32)
    gate_w1 = jax.random.normal(ks[1], (D, H), dtype=jnp.float32) * (1.0 / np.sqrt(D))
    gate_b1 = jnp.zeros((H,), dtype=jnp.float32)
    gate_w2 = jax.random.normal(ks[2], (H, E), dtype=jnp.float32) * (1.0 / np.sqrt(H))
    base_W = jax.random.normal(ks[3], (D, D), dtype=jnp.float32) * (1.0 / np.sqrt(D))
    base_b = jnp.zeros((D,), dtype=jnp.float32)
    lora_A = jax.random.normal(ks[4], (E, D, R), dtype=jnp.float32) * (1.0 / np.sqrt(D))
    lora_B = jax.random.normal(ks[5], (E, R, D), dtype=jnp.float32) * 0.01
    return {
        "x": x,
        "gate_w1": gate_w1,
        "gate_b1": gate_b1,
        "gate_w2": gate_w2,
        "base_W": base_W,
        "base_b": base_b,
        "lora_A": lora_A,
        "lora_B": lora_B,
    }


def reference(x, gate_w1, gate_b1, gate_w2, base_W, base_b, lora_A, lora_B):
    # SMoRE-style MLP gate (tanh hidden, softmax over experts)
    h = jnp.tanh(x @ gate_w1 + gate_b1)            # [T, H]
    logits = h @ gate_w2                            # [T, E]
    probs = jax.nn.softmax(logits, axis=-1)         # [T, E]
    # top-k routing, renormalize selected scores
    topv, topi = jax.lax.top_k(probs, K)            # [T, K]
    topv = topv / jnp.sum(topv, axis=-1, keepdims=True)
    rows = jnp.arange(x.shape[0])[:, None]
    combine = jnp.zeros((x.shape[0], lora_A.shape[0]), dtype=x.dtype)
    combine = combine.at[rows, topi].set(topv)      # [T, E] sparse combine weights
    # pretrained base layer (dense linear)
    base = x @ base_W + base_b                      # [T, D]
    # low-rank experts: y_e = (x @ A_e) @ B_e, combined by gate weights
    hE = jnp.einsum('td,edr->ter', x, lora_A)       # [T, E, R]
    wh = hE * combine[:, :, None]                   # gate-weighted hidden
    expert_out = jnp.einsum('ter,erd->td', wh, lora_B)  # [T, D]
    out = base + expert_out
    return out

if __name__ == "__main__":
    import jax
    _d = setup_inputs()
    print(jax.jit(kernel)(*tuple(_d.values())))

</pallas_src>

<mosaic_0001>
#map = affine_map<(d0, d1) -> (0, 0)>
module attributes {stable_mosaic.version = 14 : i64} {
  func.func @_route_body(%arg0: i32, %arg1: i32, %arg2: memref<8192x16xf32, #tpu.memory_space<hbm>>, %arg3: memref<8192x16xf32, #tpu.memory_space<hbm>>, %arg4: memref<256x16xf32, #tpu.memory_space<vmem>>, %arg5: memref<256x16xf32, #tpu.memory_space<vmem>>) attributes {dimension_semantics = [#tpu.dimension_semantics<core_parallel>, #tpu.dimension_semantics<subcore_parallel>], iteration_bounds = array<i64: 2, 16>, scalar_prefetch = 0 : i64, scratch_operands = 2 : i64, tpu.core_type = #tpu.core_type<sc_vector_subcore>, window_params = [{transform_indices = #map}, {transform_indices = #map}]} {
    %mul3A = arith.constant 16 : i32
    %mul3A_0 = arith.muli %arg0, %mul3A : i32
    %add3A = arith.addi %mul3A_0, %arg1 : i32
    %mul3A_1 = arith.constant 256 : i32
    %mul3A_2 = arith.muli %add3A, %mul3A_1 : i32
    "tpu.region"() ({
      %run_scoped3A = tpu.sem_alloc : memref<!tpu.dma_semaphore, #tpu.memory_space<semaphore_mem>>
      %dma_start3A = arith.constant 0 : i32
      %dma_start3A_7 = tpu.memref_slice %arg2[%mul3A_2, %dma_start3A] : memref<8192x16xf32, #tpu.memory_space<hbm>> -> memref<256x16xf32, #tpu.memory_space<hbm>>
      %dma_start3A_8 = arith.constant 0 : i32
      %dma_start3A_9 = tpu.memref_slice %arg2[%mul3A_2, %dma_start3A_8] : memref<8192x16xf32, #tpu.memory_space<hbm>> -> memref<256x16xf32, #tpu.memory_space<hbm>>
      tpu.enqueue_dma source(%dma_start3A_9 : memref<256x16xf32, #tpu.memory_space<hbm>>) target(%arg4 : memref<256x16xf32, #tpu.memory_space<vmem>>) target_semaphore(%run_scoped3A : memref<!tpu.dma_semaphore, #tpu.memory_space<semaphore_mem>>)
      %dma_wait3A = arith.constant 0 : i32
      %dma_wait3A_10 = tpu.memref_slice %arg2[%mul3A_2, %dma_wait3A] : memref<8192x16xf32, #tpu.memory_space<hbm>> -> memref<256x16xf32, #tpu.memory_space<hbm>>
      %dma_wait3A_11 = arith.constant 0 : i32
      %dma_wait3A_12 = tpu.memref_slice %arg2[%mul3A_2, %dma_wait3A_11] : memref<8192x16xf32, #tpu.memory_space<hbm>> -> memref<256x16xf32, #tpu.memory_space<hbm>>
      tpu.wait_dma2 semaphore(%run_scoped3A : memref<!tpu.dma_semaphore, #tpu.memory_space<semaphore_mem>>) src(%dma_wait3A_12 : memref<256x16xf32, #tpu.memory_space<hbm>>) dst(%arg4 : memref<256x16xf32, #tpu.memory_space<vmem>>)
      tpu.yield
    }) : () -> ()
    %scan3A = arith.constant 0 : i32
    %scan3A_3 = arith.constant 256 : i32
    %scan3A_4 = arith.addi %scan3A, %scan3A_3 : i32
    %scan3A_5 = arith.constant 1 : i32
    scf.for %scan3A_7 = %scan3A to %scan3A_4 step %scan3A_5  : i32 {
      %mul3A_8 = arith.constant 1 : i32
      %mul3A_9 = arith.muli %scan3A_7, %mul3A_8 : i32
      %add3A_10 = arith.constant 0 : i32
      %add3A_11 = arith.addi %add3A_10, %mul3A_9 : i32
      %get3A = arith.index_cast %add3A_11 : i32 to index
      %get3A_12 = arith.constant 0 : index
      %get3A_13 = tpu.vector_load %arg4[%get3A, %get3A_12] {strides = array<i32>} : memref<256x16xf32, #tpu.memory_space<vmem>>, vector<16xf32>,
      %iota3A = tpu.iota {dimensions = array<i32: 0>} : vector<16xi32>
      %reduce_max3A = arith.constant true
      %reduce_max3A_14 = vector.broadcast %reduce_max3A : i1 to vector<16xi1>
      %reduce_max3A_15 = tpu.scan <max>, %get3A_13 masked %reduce_max3A_14 : vector<16xf32>, vector<16xi1> -> vector<16xf32>
      %reduce_max3A_16 = vector.extract %reduce_max3A_15[15] : f32 from vector<16xf32>
      %eq3A = vector.broadcast %reduce_max3A_16 : f32 to vector<16xf32>
      %eq3A_17 = arith.cmpf oeq, %get3A_13, %eq3A : vector<16xf32>
      %jit3A = arith.constant 16 : i32
      %broadcast_in_dim3A = vector.broadcast %jit3A : i32 to vector<16xi32>
      %select_n3A = arith.select %eq3A_17, %iota3A, %broadcast_in_dim3A : vector<16xi1>, vector<16xi32>
      %reduce_min3A = arith.constant true
      %reduce_min3A_18 = vector.broadcast %reduce_min3A : i1 to vector<16xi1>
      %reduce_min3A_19 = arith.constant -2147483648 : i32
      %reduce_min3A_20 = vector.broadcast %reduce_min3A_19 : i32 to vector<16xi32>
      %reduce_min3A_21 = arith.xori %select_n3A, %reduce_min3A_20 : vector<16xi32>
      %reduce_min3A_22 = tpu.scan <min>, %reduce_min3A_21 masked %reduce_min3A_18 : vector<16xi32>, vector<16xi1> -> vector<16xi32>
      %reduce_min3A_23 = arith.xori %reduce_min3A_22, %reduce_min3A_20 : vector<16xi32>
      %reduce_min3A_24 = vector.extract %reduce_min3A_23[15] : i32 from vector<16xi32>
      %eq3A_25 = vector.broadcast %reduce_min3A_24 : i32 to vector<16xi32>
      %eq3A_26 = arith.cmpi eq, %iota3A, %eq3A_25 : vector<16xi32>
      %jit3A_27 = arith.constant 0xFF800000 : f32
      %broadcast_in_dim3A_28 = vector.broadcast %jit3A_27 : f32 to vector<16xf32>
      %select_n3A_29 = arith.select %eq3A_26, %broadcast_in_dim3A_28, %get3A_13 : vector<16xi1>, vector<16xf32>
      %reduce_max3A_30 = arith.constant true
      %reduce_max3A_31 = vector.broadcast %reduce_max3A_30 : i1 to vector<16xi1>
      %reduce_max3A_32 = tpu.scan <max>, %select_n3A_29 masked %reduce_max3A_31 : vector<16xf32>, vector<16xi1> -> vector<16xf32>
      %reduce_max3A_33 = vector.extract %reduce_max3A_32[15] : f32 from vector<16xf32>
      %eq3A_34 = vector.broadcast %reduce_max3A_33 : f32 to vector<16xf32>
      %eq3A_35 = arith.cmpf oeq, %select_n3A_29, %eq3A_34 : vector<16xf32>
      %jit3A_36 = arith.constant 16 : i32
      %broadcast_in_dim3A_37 = vector.broadcast %jit3A_36 : i32 to vector<16xi32>
      %select_n3A_38 = arith.select %eq3A_35, %iota3A, %broadcast_in_dim3A_37 : vector<16xi1>, vector<16xi32>
      %reduce_min3A_39 = arith.constant true
      %reduce_min3A_40 = vector.broadcast %reduce_min3A_39 : i1 to vector<16xi1>
      %reduce_min3A_41 = arith.constant -2147483648 : i32
      %reduce_min3A_42 = vector.broadcast %reduce_min3A_41 : i32 to vector<16xi32>
      %reduce_min3A_43 = arith.xori %select_n3A_38, %reduce_min3A_42 : vector<16xi32>
      %reduce_min3A_44 = tpu.scan <min>, %reduce_min3A_43 masked %reduce_min3A_40 : vector<16xi32>, vector<16xi1> -> vector<16xi32>
      %reduce_min3A_45 = arith.xori %reduce_min3A_44, %reduce_min3A_42 : vector<16xi32>
      %reduce_min3A_46 = vector.extract %reduce_min3A_45[15] : i32 from vector<16xi32>
      %eq3A_47 = vector.broadcast %reduce_min3A_24 : i32 to vector<16xi32>
      %eq3A_48 = arith.cmpi eq, %iota3A, %eq3A_47 : vector<16xi32>
      %eq3A_49 = vector.broadcast %reduce_min3A_46 : i32 to vector<16xi32>
      %eq3A_50 = arith.cmpi eq, %iota3A, %eq3A_49 : vector<16xi32>
      %or3A = arith.ori %eq3A_48, %eq3A_50 : vector<16xi1>
      %sub3A = vector.broadcast %reduce_max3A_16 : f32 to vector<16xf32>
      %sub3A_51 = arith.subf %get3A_13, %sub3A : vector<16xf32>
      %exp3A = math.exp %sub3A_51 : vector<16xf32>
      %jit3A_52 = arith.constant 0.000000e+00 : f32
      %broadcast_in_dim3A_53 = vector.broadcast %jit3A_52 : f32 to vector<16xf32>
      %select_n3A_54 = arith.select %or3A, %exp3A, %broadcast_in_dim3A_53 : vector<16xi1>, vector<16xf32>
      %reduce_sum3A = arith.constant true
      %reduce_sum3A_55 = vector.broadcast %reduce_sum3A : i1 to vector<16xi1>
      %reduce_sum3A_56 = tpu.scan <sum>, %select_n3A_54 masked %reduce_sum3A_55 : vector<16xf32>, vector<16xi1> -> vector<16xf32>
      %reduce_sum3A_57 = vector.extract %reduce_sum3A_56[15] : f32 from vector<16xf32>
      %div3A = vector.broadcast %reduce_sum3A_57 : f32 to vector<16xf32>
      %div3A_58 = arith.divf %select_n3A_54, %div3A : vector<16xf32>
      %swap3A = arith.index_cast %add3A_11 : i32 to index
      %swap3A_59 = arith.constant 0 : index
      %swap3A_60 = tpu.vector_load %arg5[%swap3A, %swap3A_59] {strides = array<i32>} : memref<256x16xf32, #tpu.memory_space<vmem>>, vector<16xf32>,
      tpu.vector_store %arg5[%swap3A, %swap3A_59], %div3A_58 {strides = array<i32>} : memref<256x16xf32, #tpu.memory_space<vmem>>, vector<16xf32>,
    }
    %scan3A_6 = arith.constant 256 : i32
    "tpu.region"() ({
      %run_scoped3A = tpu.sem_alloc : memref<!tpu.dma_semaphore, #tpu.memory_space<semaphore_mem>>
      %dma_start3A = arith.constant 0 : i32
      %dma_start3A_7 = tpu.memref_slice %arg3[%mul3A_2, %dma_start3A] : memref<8192x16xf32, #tpu.memory_space<hbm>> -> memref<256x16xf32, #tpu.memory_space<hbm>>
      %dma_start3A_8 = arith.constant 0 : i32
      %dma_start3A_9 = tpu.memref_slice %arg3[%mul3A_2, %dma_start3A_8] : memref<8192x16xf32, #tpu.memory_space<hbm>> -> memref<256x16xf32, #tpu.memory_space<hbm>>
      tpu.enqueue_dma source(%arg5 : memref<256x16xf32, #tpu.memory_space<vmem>>) target(%dma_start3A_9 : memref<256x16xf32, #tpu.memory_space<hbm>>) target_semaphore(%run_scoped3A : memref<!tpu.dma_semaphore, #tpu.memory_space<semaphore_mem>>)
      %dma_wait3A = arith.constant 0 : i32
      %dma_wait3A_10 = tpu.memref_slice %arg3[%mul3A_2, %dma_wait3A] : memref<8192x16xf32, #tpu.memory_space<hbm>> -> memref<256x16xf32, #tpu.memory_space<hbm>>
      %dma_wait3A_11 = arith.constant 0 : i32
      %dma_wait3A_12 = tpu.memref_slice %arg3[%mul3A_2, %dma_wait3A_11] : memref<8192x16xf32, #tpu.memory_space<hbm>> -> memref<256x16xf32, #tpu.memory_space<hbm>>
      tpu.wait_dma2 semaphore(%run_scoped3A : memref<!tpu.dma_semaphore, #tpu.memory_space<semaphore_mem>>) src(%arg5 : memref<256x16xf32, #tpu.memory_space<vmem>>) dst(%dma_wait3A_12 : memref<256x16xf32, #tpu.memory_space<hbm>>)
      tpu.yield
    }) : () -> ()
    return
  }
}

module attributes {stable_mosaic.version = 14 : i64} {
  func.func @_gate_body(%arg0: i32, %arg1: memref<2048x1024xf32, #tpu.memory_space<vmem>>, %arg2: memref<1024x256xbf16, #tpu.memory_space<vmem>>, %arg3: memref<1x256xf32, #tpu.memory_space<vmem>>, %arg4: memref<256x16xbf16, #tpu.memory_space<vmem>>, %arg5: memref<2048x16xf32, #tpu.memory_space<vmem>>) attributes {dimension_semantics = [#tpu.dimension_semantics<parallel>], iteration_bounds = array<i64: 4>, scalar_prefetch = 0 : i64, scratch_operands = 0 : i64, tpu.core_type = #tpu.core_type<tc>, window_params = [{transform_indices = @transform_0, window_bounds = array<i64: 2048, 1024>}, {pipeline_mode = #tpu.pipeline_mode<synchronous>, transform_indices = @transform_1, window_bounds = array<i64: 1024, 256>}, {pipeline_mode = #tpu.pipeline_mode<synchronous>, transform_indices = @transform_2, window_bounds = array<i64: 1, 256>}, {pipeline_mode = #tpu.pipeline_mode<synchronous>, transform_indices = @transform_3, window_bounds = array<i64: 256, 16>}, {transform_indices = @transform_4, window_bounds = array<i64: 2048, 16>}]} {
    %get3A = arith.constant 0 : index
    %get3A_0 = arith.constant 0 : index
    %get3A_1 = vector.load %arg1[%get3A, %get3A_0] : memref<2048x1024xf32, #tpu.memory_space<vmem>>, vector<2048x1024xf32>
    %convert_element_type3A = arith.truncf %get3A_1 : vector<2048x1024xf32> to vector<2048x1024xbf16>
    %get3A_2 = arith.constant 0 : index
    %get3A_3 = arith.constant 0 : index
    %get3A_4 = vector.load %arg2[%get3A_2, %get3A_3] : memref<1024x256xbf16, #tpu.memory_space<vmem>>, vector<1024x256xbf16>
    %dot_general3A = arith.constant dense<0.000000e+00> : vector<2048x256xf32>
    %dot_general3A_5 = tpu.matmul %convert_element_type3A, %get3A_4, %dot_general3A {dimension_numbers = #tpu.dot_dimension_numbers<[1], [0], [0], [1], [0, 0, 1, 1], [], []>, transpose_lhs_hint = false} : vector<2048x1024xbf16>, vector<1024x256xbf16>, vector<2048x256xf32> -> vector<2048x256xf32>
    %get3A_6 = arith.constant 0 : index
    %get3A_7 = arith.constant 0 : index
    %get3A_8 = vector.load %arg3[%get3A_6, %get3A_7] : memref<1x256xf32, #tpu.memory_space<vmem>>, vector<1x256xf32>
    %add3A = vector.broadcast %get3A_8 : vector<1x256xf32> to vector<2048x256xf32>
    %add3A_9 = arith.addf %dot_general3A_5, %add3A : vector<2048x256xf32>
    %tanh3A = math.tanh %add3A_9 : vector<2048x256xf32>
    %convert_element_type3A_10 = arith.truncf %tanh3A : vector<2048x256xf32> to vector<2048x256xbf16>
    %get3A_11 = arith.constant 0 : index
    %get3A_12 = arith.constant 0 : index
    %get3A_13 = vector.load %arg4[%get3A_11, %get3A_12] : memref<256x16xbf16, #tpu.memory_space<vmem>>, vector<256x16xbf16>
    %dot_general3A_14 = arith.constant dense<0.000000e+00> : vector<2048x16xf32>
    %dot_general3A_15 = tpu.matmul %convert_element_type3A_10, %get3A_13, %dot_general3A_14 {dimension_numbers = #tpu.dot_dimension_numbers<[1], [0], [0], [1], [0, 0, 1, 1], [], []>, transpose_lhs_hint = false} : vector<2048x256xbf16>, vector<256x16xbf16>, vector<2048x16xf32> -> vector<2048x16xf32>
    %swap3A = arith.constant 0 : index
    %swap3A_16 = arith.constant 0 : index
    %swap3A_17 = vector.load %arg5[%swap3A, %swap3A_16] : memref<2048x16xf32, #tpu.memory_space<vmem>>, vector<2048x16xf32>
    tpu.vector_store %arg5[%swap3A, %swap3A_16], %dot_general3A_15 {strides = array<i32>} : memref<2048x16xf32, #tpu.memory_space<vmem>>, vector<2048x16xf32>,
    return
  }
  func.func @transform_0(%arg0: i32) -> (i32, i32) {
    %c0_i32 = arith.constant 0 : i32
    %c0_i32_0 = arith.constant 0 : i32
    return %arg0, %c0_i32 : i32, i32
  }
  func.func @transform_1(%arg0: i32) -> (i32, i32) {
    %c0_i32 = arith.constant 0 : i32
    %c0_i32_0 = arith.constant 0 : i32
    %c0_i32_1 = arith.constant 0 : i32
    return %c0_i32, %c0_i32_0 : i32, i32
  }
  func.func @transform_2(%arg0: i32) -> (i32, i32) {
    %c0_i32 = arith.constant 0 : i32
    %c0_i32_0 = arith.constant 0 : i32
    %c0_i32_1 = arith.constant 0 : i32
    return %c0_i32, %c0_i32_0 : i32, i32
  }
  func.func @transform_3(%arg0: i32) -> (i32, i32) {
    %c0_i32 = arith.constant 0 : i32
    %c0_i32_0 = arith.constant 0 : i32
    %c0_i32_1 = arith.constant 0 : i32
    return %c0_i32, %c0_i32_0 : i32, i32
  }
  func.func @transform_4(%arg0: i32) -> (i32, i32) {
    %c0_i32 = arith.constant 0 : i32
    %c0_i32_0 = arith.constant 0 : i32
    return %arg0, %c0_i32 : i32, i32
  }
}

module attributes {stable_mosaic.version = 14 : i64} {
  func.func @_main_body(%arg0: i32, %arg1: memref<1024x1024xf32, #tpu.memory_space<vmem>>, %arg2: memref<1024x1024xbf16, #tpu.memory_space<vmem>>, %arg3: memref<1x1024xf32, #tpu.memory_space<vmem>>, %arg4: memref<1024x256xbf16, #tpu.memory_space<vmem>>, %arg5: memref<256x1024xbf16, #tpu.memory_space<vmem>>, %arg6: memref<1024x16xf32, #tpu.memory_space<vmem>>, %arg7: memref<16x256xf32, #tpu.memory_space<vmem>>, %arg8: memref<1024x1024xf32, #tpu.memory_space<vmem>>) attributes {dimension_semantics = [#tpu.dimension_semantics<parallel>], iteration_bounds = array<i64: 8>, scalar_prefetch = 0 : i64, scratch_operands = 0 : i64, tpu.core_type = #tpu.core_type<tc>, window_params = [{transform_indices = @transform_0, window_bounds = array<i64: 1024, 1024>}, {pipeline_mode = #tpu.pipeline_mode<synchronous>, transform_indices = @transform_1, window_bounds = array<i64: 1024, 1024>}, {pipeline_mode = #tpu.pipeline_mode<synchronous>, transform_indices = @transform_2, window_bounds = array<i64: 1, 1024>}, {pipeline_mode = #tpu.pipeline_mode<synchronous>, transform_indices = @transform_3, window_bounds = array<i64: 1024, 256>}, {pipeline_mode = #tpu.pipeline_mode<synchronous>, transform_indices = @transform_4, window_bounds = array<i64: 256, 1024>}, {transform_indices = @transform_5, window_bounds = array<i64: 1024, 16>}, {pipeline_mode = #tpu.pipeline_mode<synchronous>, transform_indices = @transform_6, window_bounds = array<i64: 16, 256>}, {transform_indices = @transform_7, window_bounds = array<i64: 1024, 1024>}]} {
    %get3A = arith.constant 0 : index
    %get3A_0 = arith.constant 0 : index
    %get3A_1 = vector.load %arg6[%get3A, %get3A_0] : memref<1024x16xf32, #tpu.memory_space<vmem>>, vector<1024x16xf32>
    %get3A_2 = arith.constant 0 : index
    %get3A_3 = arith.constant 0 : index
    %get3A_4 = vector.load %arg7[%get3A_2, %get3A_3] : memref<16x256xf32, #tpu.memory_space<vmem>>, vector<16x256xf32>
    %dot_general3A = arith.constant dense<0.000000e+00> : vector<1024x256xf32>
    %dot_general3A_5 = tpu.matmul %get3A_1, %get3A_4, %dot_general3A {dimension_numbers = #tpu.dot_dimension_numbers<[1], [0], [0], [1], [0, 0, 1, 1], [], []>, transpose_lhs_hint = false} : vector<1024x16xf32>, vector<16x256xf32>, vector<1024x256xf32> -> vector<1024x256xf32>
    %get3A_6 = arith.constant 0 : index
    %get3A_7 = arith.constant 0 : index
    %get3A_8 = vector.load %arg1[%get3A_6, %get3A_7] : memref<1024x1024xf32, #tpu.memory_space<vmem>>, vector<1024x1024xf32>
    %convert_element_type3A = arith.truncf %get3A_8 : vector<1024x1024xf32> to vector<1024x1024xbf16>
    %get3A_9 = arith.constant 0 : index
    %get3A_10 = arith.constant 0 : index
    %get3A_11 = vector.load %arg4[%get3A_9, %get3A_10] : memref<1024x256xbf16, #tpu.memory_space<vmem>>, vector<1024x256xbf16>
    %dot_general3A_12 = arith.constant dense<0.000000e+00> : vector<1024x256xf32>
    %dot_general3A_13 = tpu.matmul %convert_element_type3A, %get3A_11, %dot_general3A_12 {dimension_numbers = #tpu.dot_dimension_numbers<[1], [0], [0], [1], [0, 0, 1, 1], [], []>, transpose_lhs_hint = false} : vector<1024x1024xbf16>, vector<1024x256xbf16>, vector<1024x256xf32> -> vector<1024x256xf32>
    %mul3A = arith.mulf %dot_general3A_13, %dot_general3A_5 : vector<1024x256xf32>
    %convert_element_type3A_14 = arith.truncf %mul3A : vector<1024x256xf32> to vector<1024x256xbf16>
    %get3A_15 = arith.constant 0 : index
    %get3A_16 = arith.constant 0 : index
    %get3A_17 = vector.load %arg2[%get3A_15, %get3A_16] : memref<1024x1024xbf16, #tpu.memory_space<vmem>>, vector<1024x1024xbf16>
    %dot_general3A_18 = arith.constant dense<0.000000e+00> : vector<1024x1024xf32>
    %dot_general3A_19 = tpu.matmul %convert_element_type3A, %get3A_17, %dot_general3A_18 {dimension_numbers = #tpu.dot_dimension_numbers<[1], [0], [0], [1], [0, 0, 1, 1], [], []>, transpose_lhs_hint = false} : vector<1024x1024xbf16>, vector<1024x1024xbf16>, vector<1024x1024xf32> -> vector<1024x1024xf32>
    %get3A_20 = arith.constant 0 : index
    %get3A_21 = arith.constant 0 : index
    %get3A_22 = vector.load %arg5[%get3A_20, %get3A_21] : memref<256x1024xbf16, #tpu.memory_space<vmem>>, vector<256x1024xbf16>
    %dot_general3A_23 = arith.constant dense<0.000000e+00> : vector<1024x1024xf32>
    %dot_general3A_24 = tpu.matmul %convert_element_type3A_14, %get3A_22, %dot_general3A_23 {dimension_numbers = #tpu.dot_dimension_numbers<[1], [0], [0], [1], [0, 0, 1, 1], [], []>, transpose_lhs_hint = false} : vector<1024x256xbf16>, vector<256x1024xbf16>, vector<1024x1024xf32> -> vector<1024x1024xf32>
    %add3A = arith.addf %dot_general3A_19, %dot_general3A_24 : vector<1024x1024xf32>
    %get3A_25 = arith.constant 0 : index
    %get3A_26 = arith.constant 0 : index
    %get3A_27 = vector.load %arg3[%get3A_25, %get3A_26] : memref<1x1024xf32, #tpu.memory_space<vmem>>, vector<1x1024xf32>
    %add3A_28 = vector.broadcast %get3A_27 : vector<1x1024xf32> to vector<1024x1024xf32>
    %add3A_29 = arith.addf %add3A, %add3A_28 : vector<1024x1024xf32>
    %swap3A = arith.constant 0 : index
    %swap3A_30 = arith.constant 0 : index
    %swap3A_31 = vector.load %arg8[%swap3A, %swap3A_30] : memref<1024x1024xf32, #tpu.memory_space<vmem>>, vector<1024x1024xf32>
    tpu.vector_store %arg8[%swap3A, %swap3A_30], %add3A_29 {strides = array<i32>} : memref<1024x1024xf32, #tpu.memory_space<vmem>>, vector<1024x1024xf32>,
    return
  }
  func.func @transform_0(%arg0: i32) -> (i32, i32) {
    %c0_i32 = arith.constant 0 : i32
    %c0_i32_0 = arith.constant 0 : i32
    return %arg0, %c0_i32 : i32, i32
  }
  func.func @transform_1(%arg0: i32) -> (i32, i32) {
    %c0_i32 = arith.constant 0 : i32
    %c0_i32_0 = arith.constant 0 : i32
    %c0_i32_1 = arith.constant 0 : i32
    return %c0_i32, %c0_i32_0 : i32, i32
  }
  func.func @transform_2(%arg0: i32) -> (i32, i32) {
    %c0_i32 = arith.constant 0 : i32
    %c0_i32_0 = arith.constant 0 : i32
    %c0_i32_1 = arith.constant 0 : i32
    return %c0_i32, %c0_i32_0 : i32, i32
  }
  func.func @transform_3(%arg0: i32) -> (i32, i32) {
    %c0_i32 = arith.constant 0 : i32
    %c0_i32_0 = arith.constant 0 : i32
    %c0_i32_1 = arith.constant 0 : i32
    return %c0_i32, %c0_i32_0 : i32, i32
  }
  func.func @transform_4(%arg0: i32) -> (i32, i32) {
    %c0_i32 = arith.constant 0 : i32
    %c0_i32_0 = arith.constant 0 : i32
    %c0_i32_1 = arith.constant 0 : i32
    return %c0_i32, %c0_i32_0 : i32, i32
  }
  func.func @transform_5(%arg0: i32) -> (i32, i32) {
    %c0_i32 = arith.constant 0 : i32
    %c0_i32_0 = arith.constant 0 : i32
    return %arg0, %c0_i32 : i32, i32
  }
  func.func @transform_6(%arg0: i32) -> (i32, i32) {
    %c0_i32 = arith.constant 0 : i32
    %c0_i32_0 = arith.constant 0 : i32
    %c0_i32_1 = arith.constant 0 : i32
    return %c0_i32, %c0_i32_0 : i32, i32
  }
  func.func @transform_7(%arg0: i32) -> (i32, i32) {
    %c0_i32 = arith.constant 0 : i32
    %c0_i32_0 = arith.constant 0 : i32
    return %arg0, %c0_i32 : i32, i32
  }
}

</mosaic_0001>

<sc_bundles>
// kernel: kernel.5.cloned.1.call-start
scs
__scs_entry_jumppad:
0x0: {  	(pc) =	sbr.rel $0x88, $3  }
0x1: {  	(tag) =	ssettag $0x0;
	lr =	simm.s32 $0x1  }
0x2: {  	[smem:$0x3F99] =	sst lr;
	_ =	strace $0xD0000000  }
0x3: {  	_ = 	snop  }
0x4: {  	_ = 	snop  }
0x5: {  	_ = 	snop  }
0x6: {  	_ = 	snop  }
0x7: {  	_ = 	snop  }
__scs_overlays_trampoline_lowered:
0x8: {  	[smem:$0x3FA8] =	sst s0  }
0x9: {  	[smem:$0x3FA9] =	sst s1  }
0xa: {  	[smem:$0x3FAA] =	sst s2  }
0xb: {  	[smem:$0x3FAB] =	sst s3  }
0xc: {  	[smem:$0x3FAC] =	sst s4  }
0xd: {  	[smem:$0x3FAD] =	sst s5  }
0xe: {  	[smem:$0x3FAE] =	sst s6  }
0xf: {  	[smem:$0x3FAF] =	sst s7  }
0x10: {  	[smem:$0x3FB0] =	sst s8  }
0x11: {  	[smem:$0x3FB1] =	sst s9;
	s0 =	simm.s32 @!p0 $0x0  }
0x12: {  	s1 =	sld [smem:$0x3F97];
	s0 =	simm.s32 @p0 $0x1  }
0x13: {  	[smem:$0x3FB2] =	sst s0;
	s0 =	simm.s32 @!p1 $0x0  }
0x14: {  	s2 =	sld [smem:$0x3F96];
	s0 =	simm.s32 @p1 $0x1  }
0x15: {  	[smem:$0x3FB3] =	sst s0;
	s0 =	simm.s32 @!p2 $0x0  }
0x16: {  	s3 =	sld [smem:$0x3FDB];
	s0 =	simm.s32 @p2 $0x1  }
0x17: {  	s4 =	simm.s32 $0x1BF5;
	[smem:$0x3FB5] =	sst s0  }
0x18: {  	s0 =	sld [smem:$0x3F98];
	_ =	swait.ge [sflag:s4], $0x0  }
0x19: {  	s7 =	sld [smem:$0x3F99]  }
0x1a: {  	s8 =	sadd.s32 $0xFFFFE003, lr  }
0x1b: {  	s9 =	sadd.s32 $0xFFFFFEF7, lr;
	s5 =	simm.s32 $0xFFFFFFFF;
	p2 =	slt.u32 s8, $0xFFFFF086  }
0x1c: {  	p1 =	slt.u32 s9, $0xF7A;
	s5 =	simm.s32 @!p2 $0x0  }
0x1d: {  	s5 =	simm.s32 @p1 $0x1;
	p0 =	seq.s32 s7, s2  }
0x1e: {  	s7 =	smul.u32 @!p0 $0xF7A, s2;
	p2 =	seq.s32 @!p0 s5, $0x0  }
0x1f: {  	s9 =	smul.u32 $0xF7A, s1;
	s8 =	simm.s32 @!p0 $0x1BF5;
	p2 =	por !p2, p0  }
0x20: {  	[sflag:s8] =	ssyncset.s32 @!p0 $0xFFFFF086;
	s6 =	sadd.s32 @!p0 s3, s7;
	s7 =	simm.s32 @!p0 $0x108  }
0x21: {  	s3 =	sadd.s32 s3, s9;
	s6 =	sadd.s32 @!p0 $0x88, s6;
	s7 =	simm.s32 @p2 $0x1082  }
0x22: {  	[simem:s7], [sflag:s8] =	dma.local @!p0 [hbm:s6], $0xF7A  }
0x23: {  	s9 =	sor.u32 $0xD0000000, s2;
	s6 =	simm.s32 $0x108;
	_ =	swait.ge @!p0 [sflag:s8], $0x0  }
0x24: {  	s3 =	sadd.s32 $0x88, s3;
	s6 =	simm.s32 @!p1 $0x1082;
	[sflag:s4] =	ssyncset.s32 $0xFFFFF086  }
0x25: {  	[simem:s6], [sflag:s4] =	dma.local [hbm:s3], $0xF7A  }
0x26: {  	[smem:$0x3F99] =	sst s1;
	(tag) =	ssettag s2;
	_ =	strace s9  }
0x27: {  	s1 =	sld [smem:$0x3FA9]  }
0x28: {  	s2 =	sld [smem:$0x3FAA]  }
0x29: {  	s4 =	sld [smem:$0x3FAC]  }
0x2a: {  	p0 =	seq.s32 s5, $0x0;
	s5 =	sld [smem:$0x3FAD]  }
0x2b: {  	s6 =	sld [smem:$0x3FAE]  }
0x2c: {  	s7 =	sld [smem:$0x3FAF]  }
0x2d: {  	s3 =	simm.s32 $0x108;
	s8 =	sld [smem:$0x3FB0]  }
0x2e: {  	s3 =	simm.s32 @!p0 $0x1082;
	s9 =	sld [smem:$0x3FB1]  }
0x2f: {  	lr =	sadd.s32 s0, s3;
	s0 =	sld [smem:$0x3FA8]  }
0x30: {  	s3 =	sld [smem:$0x3FAB]  }
0x31: {  	[smem:$0x3FB4] =	sst s10  }
0x32: {  	s10 =	sld [smem:$0x3FB2];
	_ =	sdelay $0x3  }
0x33: {  	p0 =	seq.s32 s10, $0x1;
	s10 =	sld [smem:$0x3FB4];
	_ =	sdelay $0x3  }
0x34: {  	[smem:$0x3FB4] =	sst s10  }
0x35: {  	s10 =	sld [smem:$0x3FB3];
	_ =	sdelay $0x3  }
0x36: {  	p1 =	seq.s32 s10, $0x1;
	s10 =	sld [smem:$0x3FB4];
	_ =	sdelay $0x3  }
0x37: {  	[smem:$0x3FB4] =	sst s10  }
0x38: {  	s10 =	sld [smem:$0x3FB5]  }
0x39: {  	_ = 	snop;
	(pc) =	sbr.ind lr, $3  }
0x3a: {  	_ = 	snop  }
0x3b: {  	_ = 	snop  }
0x3c: {  	p2 =	seq.s32 s10, $0x1;
	s10 =	sld [smem:$0x3FB4]  }
0x3d: {  	_ =	shalt  }
0x3e: {  	_ =	shalt  }
0x3f: {  	_ =	shalt  }
0x40: {  	_ =	shalt  }
0x41: {  	_ =	shalt  }
0x42: {  	_ =	shalt  }
0x43: {  	_ =	shalt  }
0x44: {  	_ =	shalt  }
0x45: {  	_ =	shalt  }
0x46: {  	_ =	shalt  }
0x47: {  	_ =	shalt  }
0x48: {  	_ =	shalt  }
0x49: {  	_ =	shalt  }
0x4a: {  	_ =	shalt  }
0x4b: {  	_ =	shalt  }
0x4c: {  	_ =	shalt  }
0x4d: {  	_ =	shalt  }
0x4e: {  	_ =	shalt  }
0x4f: {  	_ =	shalt  }
0x50: {  	_ =	shalt  }
0x51: {  	_ =	shalt  }
0x52: {  	_ =	shalt  }
0x53: {  	_ =	shalt  }
0x54: {  	_ =	shalt  }
0x55: {  	_ =	shalt  }
0x56: {  	_ =	shalt  }
0x57: {  	_ =	shalt  }
0x58: {  	_ =	shalt  }
0x59: {  	_ =	shalt  }
0x5a: {  	_ =	shalt  }
0x5b: {  	_ =	shalt  }
0x5c: {  	_ =	shalt  }
0x5d: {  	_ =	shalt  }
0x5e: {  	_ =	shalt  }
0x5f: {  	_ =	shalt  }
0x60: {  	_ =	shalt  }
0x61: {  	_ =	shalt  }
0x62: {  	_ =	shalt  }
0x63: {  	_ =	shalt  }
0x64: {  	_ =	shalt  }
0x65: {  	_ =	shalt  }
0x66: {  	_ =	shalt  }
0x67: {  	_ =	shalt  }
0x68: {  	_ =	shalt  }
0x69: {  	_ =	shalt  }
0x6a: {  	_ =	shalt  }
0x6b: {  	_ =	shalt  }
0x6c: {  	_ =	shalt  }
0x6d: {  	_ =	shalt  }
0x6e: {  	_ =	shalt  }
0x6f: {  	_ =	shalt  }
0x70: {  	_ =	shalt  }
0x71: {  	_ =	shalt  }
0x72: {  	_ =	shalt  }
0x73: {  	_ =	shalt  }
0x74: {  	_ =	shalt  }
0x75: {  	_ =	shalt  }
0x76: {  	_ =	shalt  }
0x77: {  	_ =	shalt  }
0x78: {  	_ =	shalt  }
0x79: {  	_ =	shalt  }
0x7a: {  	_ =	shalt  }
0x7b: {  	_ =	shalt  }
0x7c: {  	_ =	shalt  }
0x7d: {  	_ =	shalt  }
0x7e: {  	_ =	shalt  }
0x7f: {  	_ =	shalt  }
0x80: {  	_ =	shalt  }
0x81: {  	_ =	shalt  }
0x82: {  	_ =	shalt  }
0x83: {  	_ =	shalt  }
0x84: {  	_ =	shalt  }
0x85: {  	_ =	shalt  }
0x86: {  	_ =	shalt  }
0x87: {  	_ =	shalt  }
.Lfunc_end0:
.L_simem_size_0:
called_computation_lowered:
.L_overlay_start_0:
0x88: {  	s2 =	sld [smem:$0x3FD9]  }
0x89: {  	s3 =	sld [smem:$0x3FFE];
	_ =	sdelay $0x1  }
0x8a: {  	s1 =	srdreg.scid  }
0x8b: {  	s0 =	sand.u32 $0x1, s1  }
0x8c: {  	s17 =	sshll.u32 s0, $0xA;
	s2 =	sadd.s32 s3, s2  }
0x8d: {  	s2 =	sadd.s32 s2, s17  }
0x8e: {  	[smem:$0x3FC0] =	sst s2  }
0x8f: {  	_ = 	snop  }
0x90: {  	s2 =	sld [smem:$0x3FD0];
	(tm) =	ssettm $0x1  }
0x91: {  	s18 =	sld [smem:$0x3FFB];
	_ =	sdelay $0x3  }
0x92: {  	_ =	strace s18  }
0x93: {  	s3 =	sld [smem:$0x3FFC];
	_ =	sdelay $0x3  }
0x94: {  	_ =	strace s3  }
0x95: {  	s3 =	sld [smem:$0x3FFD];
	_ =	sdelay $0x3  }
0x96: {  	_ =	strace s3  }
0x97: {  	_ =	strace $0x8FFFFFFF  }
0x98: {  	s19 =	sld [smem:$0x3FDB];
	_ =	sdelay $0x1  }
0x99: {  	s4 =	simm.s32 $_scs_section_size  }
0x9a: {  	s5 =	simm.s32 $_size__tile_overlayer_lowered;
	s6 =	simm.s32 $_tile_overlayer_lowered  }
0x9b: {  	s22 =	simm.s32 $0x1BFF;
	s21 =	sshll.u32 s6, $0x1;
	s3 =	sadd.s32 s4, s19  }
0x9c: {  	s7 =	simm.s32 $0x0;
	s20 =	sshll.u32 s5, $0x1;
	s5 =	sadd.s32 s21, s3  }
0x9d: {  	[timem:s7], [sflag:s22] =	dma.local [hbm:s5], s20  }
0x9e: {  	_ =	swait.ge [sflag:s22], s20  }
0x9f: {  	s4 =	ssub.s32 $0x0, s20;
	[sflag:s22] =	ssyncset.done $0x0  }
0xa0: {  	[sflag:s22] =	ssyncadd.s32 s4;
	_ =	sdelay $0x1  }
0xa1: {  	s23 =	simm.s32 $0x1B8B  }
0xa2: {  	_ =	swait.ge [sflag:s23], $0x1  }
0xa3: {  	[sflag:s23] =	ssyncset.done $0x0  }
0xa4: {  	s25 =	simm.s32 $0x1B8E;
	s24 =	sld [smem:$0x3FFE];
	[sflag:s23] =	ssyncadd.s32 $0xFFFFFFFF  }
0xa5: {  	s26 =	simm.s32 $execute0_lowered;
	[smem:$0x3FD2] =	sst s25  }
0xa6: {  	s5 =	sshll.u32 s26, $0x1;
	_ =	strace $0x80000046;
	[dreg:$0x1] =	wrdreg $0xFFFFFFFF  }
0xa7: {  	s28 =	simm.s32 $_size_execute0_lowered;
	s3 =	sadd.s32 s3, s5;
	[dreg:$0x0] =	wrdreg $0x0  }
0xa8: {  	s5 =	sshll.u32 s28, $0x1;
	[dreg:$0x2] =	wrdreg s3  }
0xa9: {  	[dreg:$0x3] =	wrdreg s5  }
0xaa: {  	[dreg:$0x4] =	wrdreg $0xC0  }
0xab: {  	_ =	task [dreg:s7], $0x5FFFF  }
0xac: {  	[dreg:$0x1] =	wrdreg $0xFFFFFFFF  }
0xad: {  	[dreg:$0x0] =	wrdreg $0x60  }
0xae: {  	[dreg:$0x2] =	wrdreg s2  }
0xaf: {  	[dreg:$0x3] =	wrdreg s24  }
0xb0: {  	[dreg:$0x4] =	wrdreg $0x9  }
0xb1: {  	_ =	task.clear_ibuf [dreg:s7], $0x5FFFF;
	_ =	strace $0x90000046  }
0xb2: {  	s29 =	simm.s32 $0x9;
	_ =	strace $0x80000048  }
0xb3: {  	_ =	swait.ge [sflag:s29], $0x1  }
0xb4: {  	[sflag:s29] =	ssyncadd.s32 $0xFFFFFFFF  }
0xb5: {  	_ =	strace $0x90000048  }
0xb6: {  	_ =	sfence  }
0xb7: {  	s30 =	sld [smem:$0x0];
	_ =	sdelay $0x2  }
0xb8: {  	s31 =	sshll.u32 s1, $0xD;
	s1 =	sshrl.u32 s1, $0x2  }
0xb9: {  	s3 =	sand.u32 $0x4000, s31;
	s1 =	sadd.s32 s1, s30  }
0xba: {  	s0 =	sor.u32 s3, s0;
	s1 =	sshll.u32 s1, $0x11  }
0xbb: {  	s0 =	sor.u32 s1, s0  }
0xbc: {  	s0 =	sadd.s32 $0x8F2B, s0  }
0xbd: {  	[sflag:s0] =	ssyncadd.remote.s32 $0x1  }
0xbe: {  	_ =	sfence.sel $0xFFFF  }
0xbf: {  	[dreg:$0x0] =	wrdreg $0xFFFFFFFF;
	(pc) =	sbr.abs _section_cstart, $3  }
0xc0: {  	[dreg:$0x1] =	wrdreg $0xFFFFFFFF  }
0xc1: {  	_ =	task.clear_ibuf [dreg:s7], $0x2FFFF;
	_ =	strace $0x9FFFFFFF  }
0xc2: {  	(tm) =	ssettm $0x7FFFFFFF  }
0xc3: {  	_ =	shalt  }
tec
execute0_lowered:
.L_overlay_start_1:
0x0: {  	(tag) =	ssettag $0x1  }
0x1: {  	s3 =	rddreg [dreg:$0x0]  }
0x2: {  	s4 =	rddreg [dreg:$0x1]  }
0x3: {  	s0 =	rddreg [dreg:$0x2];
	s5 =	srdreg.scid  }
0x4: {  	s2 =	simm.s32 $0x0;
	s1 =	stileid.u32;
	s8 =	simm.s32 $0x0  }
0x5: {  	s5 =	sand.u32 $0x1, s5;
	s7 =	sshll.u32 s1, $0xC;
	[smem:$0x7FF] =	sst s2  }
0x6: {  	s6 =	sshll.u32 s5, $0x10;
	s5 =	ssub.s32 $0x2, s5;
	_ =	strace $0x80000047  }
0x7: {  	s6 =	sor.u32 s7, s6;
	s31 =	sshrl.u32 s5, $0x1;
	s7 =	simm.s32 $0x8000  }
0x8: {  	v0 =	vlaneseq.u32;
	s4 =	sadd.s32 s6, s4;
	s5 =	ssub.s32 s5, s31;
	s3 =	sadd.s32 s3, s6  }
0x9: {  	v1 =	vor.u32 $0x80000000, v0;
	s6 =	simm.s32 $0x1;
	s4 =	sadd.s32 $0x1200, s4;
	s5 =	smax.u32 s5, $0x1  }
.LBB2_1:
0xa: {  	[tilespmem:s2], [sflag:$0x1] =	stream.linear.gather [hbm4b:s3+s2], $0x8000, $0x38;
	[tilespmem:$0x10000] =	vst v63  }
0xb: {  	_ =	swait.ge [sflag:s6], $0x8000  }
0xc: {  	[sflag:s6] =	ssyncset.done $0x0  }
0xd: {  	s9 =	simm.s32 $0x0;
	[sflag:s6] =	ssyncadd.s32 $0xFFFF8000  }
0xe: {  	v2 =	vld [tilespmem:s9+$0x0];
	_ =	sdelay $0x4  }
0xf: {  	(xrf0) =	vmax.scan.msk.f32 $0xffff, v2;
	_ =	sdelay $0x3  }
0x10: {  	s10 =	simm.s32 $0x80  }
0x11: {  	v8 =	vld [tilespmem:s10+$0x0]  }
0x12: {  	v3, _, _ =	vpop (xrf0)  }
0x13: {  	v3 =	vbroadcast v3, $0xF;
	_ =	sdelay $0x1  }
0x14: {  	vm0 =	veq.f32 v2, v3  }
0x15: {  	(xrf0) =	vmax.scan.msk.f32 $0xffff, v8;
	v4 =	vnsel vm0, $0x80000010, v1  }
0x16: {  	(xrf0) =	vmin.scan.msk.u32 $0xffff, v4;
	_ =	sdelay $0x2  }
0x17: {  	s11 =	simm.s32 $0x100  }
0x18: {  	v4 =	vld [tilespmem:s11+$0x0]  }
0x19: {  	v5, _, _ =	vpop (xrf0)  }
0x1a: {  	v9 =	vbroadcast v5, $0xF;
	v6, _, _ =	vpop (xrf0)  }
0x1b: {  	(v2sf) =	vpush v6, $0xF  }
0x1c: {  	vm0 =	veq.f32 v8, v9  }
0x1d: {  	v5 =	vnsel vm0, $0x80000010, v1;
	(xrf0) =	vmax.scan.msk.f32 $0xffff, v4  }
0x1e: {  	(xrf0) =	vmin.scan.msk.u32 $0xffff, v5;
	_ =	sdelay $0x4  }
0x1f: {  	s12 =	simm.s32 $0x180;
	v5, _, _ =	vpop (xrf0)  }
0x20: {  	v15 =	vld [tilespmem:s12+$0x0];
	v6, _, _ =	vpop (xrf0)  }
0x21: {  	(v2sf) =	vpush v6, $0xF;
	_ =	sdelay $0x2  }
0x22: {  	v13 =	vbroadcast v5, $0xF  }
0x23: {  	(xrf0) =	vmax.scan.msk.f32 $0xffff, v15  }
0x24: {  	vm0 =	veq.f32 v4, v13;
	s13 =	spop (v2sf)  }
0x25: {  	v5 =	vnsel vm0, $0x80000010, v1;
	s13 =	sxor.u32 $0x80000000, s13  }
0x26: {  	(xrf0) =	vmin.scan.msk.u32 $0xffff, v5;
	v5 =	vmov s13  }
0x27: {  	s13 =	simm.s32 $0x200  }
0x28: {  	v6 =	vld [tilespmem:s13+$0x0]  }
0x29: {  	vm1 =	veq.s32 v5, v0;
	v5, _, _ =	vpop (xrf0)  }
0x2a: {  	v7 =	vsel vm1, $0xFF800000, v2;
	v16 =	vbroadcast v5, $0xF  }
0x2b: {  	(xrf0) =	vmax.scan.msk.f32 $0xffff, v7  }
0x2c: {  	v10, _, _ =	vpop (xrf0);
	vm0 =	veq.f32 v15, v16  }
0x2d: {  	(v2sf) =	vpush v10, $0xF;
	(xrf0) =	vmax.scan.msk.f32 $0xffff, v6;
	v5 =	vnsel vm0, $0x80000010, v1  }
0x2e: {  	s14 =	spop (v2sf);
	(xrf0) =	vmin.scan.msk.u32 $0xffff, v5  }
0x2f: {  	s14 =	sxor.u32 $0x80000000, s14  }
0x30: {  	v10 =	vmov s14  }
0x31: {  	v5, _, _ =	vpop (xrf0)  }
0x32: {  	v11 =	vbroadcast v5, $0xF  }
0x33: {  	s14 =	simm.s32 $0x280;
	vm0 =	veq.s32 v10, v0;
	v10, _, _ =	vpop (xrf0)  }
0x34: {  	v5 =	vld [tilespmem:s14+$0x0];
	vm2 =	veq.f32 v7, v11;
	v7, _, _ =	vpop (xrf0)  }
0x35: {  	(v2sf) =	vpush v7, $0xF  }
0x36: {  	v12 =	vsel vm0, $0xFF800000, v8  }
0x37: {  	(xrf0) =	vmax.scan.msk.f32 $0xffff, v12;
	v10 =	vbroadcast v10, $0xF;
	v11 =	vnsel vm2, $0x80000010, v1  }
0x38: {  	(xrf0) =	vmin.scan.msk.u32 $0xffff, v11  }
0x39: {  	vm2 =	veq.f32 v6, v10;
	(xrf0) =	vmax.scan.msk.f32 $0xffff, v5  }
0x3a: {  	v7 =	vnsel vm2, $0x80000010, v1  }
0x3b: {  	(xrf0) =	vmin.scan.msk.u32 $0xffff, v7  }
0x3c: {  	s15 =	spop (v2sf)  }
0x3d: {  	v7, _, _ =	vpop (xrf0);
	s16 =	sxor.u32 $0x80000000, s15;
	s15 =	simm.s32 $0x300  }
0x3e: {  	v17 =	vbroadcast v7, $0xF;
	v11, _, _ =	vpop (xrf0);
	v14 =	vmov s16;
	v7 =	vld [tilespmem:s15+$0x0]  }
0x3f: {  	(v2sf) =	vpush v11, $0xF;
	v11, _, _ =	vpop (xrf0);
	vm2 =	veq.s32 v14, v0  }
0x40: {  	vm3 =	veq.f32 v12, v17;
	v11 =	vbroadcast v11, $0xF;
	v14 =	vsel vm2, $0xFF800000, v4  }
0x41: {  	v12, _, _ =	vpop (xrf0);
	v17 =	vnsel vm3, $0x80000010, v1;
	(xrf0) =	vmax.scan.msk.f32 $0xffff, v14  }
0x42: {  	v2 =	vsub.f32 v2, v3;
	(v2sf) =	vpush v12, $0xF;
	vm3 =	veq.f32 v5, v11;
	(xrf0) =	vmin.scan.msk.u32 $0xffff, v17  }
0x43: {  	v3 =	vnsel vm3, $0x80000010, v1;
	(xrf0) =	vmax.scan.msk.f32 $0xffff, v7  }
0x44: {  	v2 =	vmul.f32 $1.442695020e+00, v2;
	(xrf0) =	vmin.scan.msk.u32 $0xffff, v3;
	s29 =	spop (v2sf)  }
0x45: {  	s16 =	sxor.u32 $0x80000000, s29  }
0x46: {  	(erf) = vpow2.f32 v2;
	v2 =	vmov s16  }
0x47: {  	v3, _, _ =	vpop (xrf0)  }
0x48: {  	v12, _, _ =	vpop (xrf0)  }
0x49: {  	vm3 =	veq.s32 v2, v0;
	v2, _, _ =	vpop (xrf0)  }
0x4a: {  	v17 =	vbroadcast v3, $0xF;
	s16 =	simm.s32 $0x380;
	(v2sf) =	vpush v12, $0xF;
	v12, _, _ =	vpop (xrf0)  }
0x4b: {  	v3 =	vld [tilespmem:s16+$0x0];
	(v2sf) =	vpush v12, $0xF  }
0x4c: {  	v18 =	vsel vm3, $0xFF800000, v15;
	vm4 =	veq.f32 v14, v17  }
0x4d: {  	vm1 =	vmmov vm1;
	v14 =	vnsel vm4, $0x80000010, v1;
	(xrf0) =	vmax.scan.msk.f32 $0xffff, v18  }
0x4e: {  	vm1 =	vmmov vm1;
	(xrf0) =	vmin.scan.msk.u32 $0xffff, v14;
	s17 =	spop (v2sf);
	v12 =	vbroadcast v2, $0xF  }
0x4f: {  	vm1 =	vmmov vm1;
	v2 =	vsub.f32 v8, v9;
	s17 =	sxor.u32 $0x80000000, s17  }
0x50: {  	vm1 =	vmmov vm1;
	(xrf0) =	vmax.scan.msk.f32 $0xffff, v3;
	v8 =	vmov s17;
	vm4 =	veq.f32 v7, v12  }
0x51: {  	v2 =	vmul.f32 $1.442695020e+00, v2;
	s30 =	spop (v2sf);
	vm5 =	veq.s32 v8, v0;
	v8 =	vnsel vm4, $0x80000010, v1  }
0x52: {  	v9 =	vpop (erf);
	s17 =	sxor.u32 $0x80000000, s30;
	vm1 =	vmor vm1, vm5  }
0x53: {  	(erf) = vpow2.f32 v2;
	v14, _, _ =	vpop (xrf0);
	(xrf0) =	vmin.scan.msk.u32 $0xffff, v8;
	v2 =	vnsel vm1, $0x0, v9;
	v9 =	vmov s17  }
0x54: {  	s17 =	simm.s32 $0x400;
	v8, _, _ =	vpop (xrf0);
	vm1 =	veq.s32 v9, v0;
	v9 =	vbroadcast v14, $0xF  }
0x55: {  	(xrf2) =	vadd.scan.msk.f32 $0xffff, v2;
	(v2sf) =	vpush v8, $0xF;
	v8 =	vld [tilespmem:s17+$0x0];
	v14 =	vsel vm1, $0xFF800000, v6  }
0x56: {  	v17, _, _ =	vpop (xrf0);
	vm4 =	veq.f32 v18, v9;
	(xrf0) =	vmax.scan.msk.f32 $0xffff, v14  }
0x57: {  	v9 =	vbroadcast v17, $0xF;
	v17 =	vnsel vm4, $0x80000010, v1  }
0x58: {  	(xrf0) =	vmin.scan.msk.u32 $0xffff, v17  }
0x59: {  	v4 =	vsub.f32 v4, v13;
	vm4 =	veq.f32 v3, v9;
	v13, _, _ =	vpop (xrf0);
	s18 =	spop (v2sf)  }
0x5a: {  	v17 =	vnsel vm4, $0x80000010, v1;
	(xrf0) =	vmax.scan.msk.f32 $0xffff, v8;
	(v2sf) =	vpush v13, $0xF;
	s18 =	sxor.u32 $0x80000000, s18;
	s19 =	spop (v2sf)  }
0x5b: {  	(xrf0) =	vmin.scan.msk.u32 $0xffff, v17;
	v13 =	vmov s18;
	s31 =	sxor.u32 $0x80000000, s19  }
0x5c: {  	vm0 =	vmmov vm0;
	v18, _, _ =	vpop (xrf0);
	vm4 =	veq.s32 v13, v0;
	v13 =	vmov s31  }
0x5d: {  	vm0 =	vmmov vm0;
	v17 =	vpop (erf);
	vm5 =	veq.s32 v13, v0;
	v13 =	vbroadcast v18, $0xF  }
0x5e: {  	vm0 =	vmmov vm0;
	vm2 =	vmmov vm2;
	v4 =	vmul.f32 $1.442695020e+00, v4;
	v19, _, _ =	vpop (xrf0)  }
0x5f: {  	vm0 =	vmmov vm0;
	vm2 =	vmmov vm2;
	v18, _, _ =	vpop (xrf2)  }
0x60: {  	vm2 =	vmmov vm2;
	(erf) = vpow2.f32 v4;
	vm0 =	vmor vm0, vm4;
	v20, _, _ =	vpop (xrf0)  }
0x61: {  	s18 =	simm.s32 $0x480;
	v4 =	vnsel vm0, $0x0, v17;
	(v2sf) =	vpush v19, $0xF;
	vm0 =	veq.f32 v14, v13;
	v13, _, _ =	vpop (xrf0)  }
0x62: {  	vm2 =	vmmov vm2;
	(xrf2) =	vadd.scan.msk.f32 $0xffff, v4;
	v18 =	vbroadcast v18, $0xF;
	(v2sf) =	vpush v13, $0xF;
	v13 =	vld [tilespmem:s18+$0x0]  }
0x63: {  	vm3 =	vmmov vm3;
	vm1 =	vmmov vm1;
	v17 =	vsel vm5, $0xFF800000, v5  }
0x64: {  	v14 =	vbroadcast v20, $0xF;
	(xrf0) =	vmax.scan.msk.f32 $0xffff, v17;
	v19 =	vnsel vm0, $0x80000010, v1;
	(erf) = vrcp.f32 v18  }
0x65: {  	v15 =	vsub.f32 v15, v16;
	vm3 =	vmmov vm3;
	vm1 =	vmmov vm1;
	(xrf0) =	vmin.scan.msk.u32 $0xffff, v19  }
0x66: {  	vm4 =	vmmov vm3;
	s19 =	simm.s32 $0x1400;
	vm0 =	vmmov vm5;
	vm3 =	veq.f32 v8, v14;
	s21 =	spop (v2sf)  }
.LBB2_2:
0x67: {  	p0 =	sne.s32 s19, $0x1FE00;
	(xrf0) =	vmax.scan.msk.f32 $0xffff, v13;
	v20 =	vnsel vm3, $0x80000010, v1;
	s21 =	sxor.u32 $0x80000000, s21;
	v18 =	vmovc v3;
	v3 =	vmov v8;
	v8 =	vmov v13  }
0x68: {  	v19 =	vmovc v10;
	v10 =	vmovc v11;
	v11 =	vmov v12;
	v12 =	vmov v9;
	v9 =	vmov v14;
	s20 =	smov.u32 s16;
	s16 =	smov.u32 s17;
	s17 =	smov.u32 s18  }
0x69: {  	(xrf0) =	vmin.scan.msk.u32 $0xffff, v20;
	s18 =	spop (v2sf);
	v21 =	vmul.f32 $1.442695020e+00, v15;
	v14 =	vmov s21;
	v15 =	vpop (erf)  }
0x6a: {  	s18 =	sxor.u32 $0x80000000, s18;
	v16, _, _ =	vpop (xrf0);
	vm3 =	veq.s32 v14, v0  }
0x6b: {  	v14 =	vmov s18;
	v20, _, _ =	vpop (xrf0);
	(erf) = vpow2.f32 v21;
	vm2 =	vmor vm2, vm3  }
0x6c: {  	vm3 =	veq.s32 v14, v0;
	v14 =	vbroadcast v16, $0xF;
	v15 =	vnsel vm2, $0x0, v15;
	v13, _, _ =	vpop (xrf2)  }
0x6d: {  	s18 =	sshra.s32 s19, $0x2;
	vm2 =	vmmov vm4;
	v16 =	vsel vm3, $0xFF800000, v7;
	(xrf2) =	vadd.scan.msk.f32 $0xffff, v15;
	v21 =	vbroadcast v13, $0xF;
	v22 =	vpop (erf)  }
.Ltmp0:
0x6e: {  	v13 =	vld [tilespmem:s18+$0x0];
	v23, _, _ =	vpop (xrf0);
	vm4 =	veq.f32 v17, v14;
	(v2sf) =	vpush v20, $0xF;
	v24 =	vmul.f32 v22, v2;
	(pc) =	sbr.rel @p0 .LBB2_2-.Ltmp0, $4  }
0x6f: {  	v2 =	vmov v4;
	v20, _, _ =	vpop (xrf0);
	(xrf0) =	vmax.scan.msk.f32 $0xffff, v16;
	v22 =	vnsel vm4, $0x80000010, v1;
	(erf) = vrcp.f32 v21  }
0x70: {  	v4 =	vmovc v15;
	v14 =	vbroadcast v23, $0xF;
	(v2sf) =	vpush v20, $0xF;
	(xrf0) =	vmin.scan.msk.u32 $0xffff, v22;
	[tilespmem:s9+$0x8000] =	vst v24;
	s9 =	smov.u32 s10;
	s10 =	smov.u32 s11;
	s11 =	smov.u32 s12  }
0x71: {  	v17 =	vmovc v16;
	vm4 =	vmmov vm1;
	vm1 =	vmmov vm0;
	vm0 =	vmmov vm3;
	s12 =	smov.u32 s13;
	s13 =	smov.u32 s14;
	s14 =	smov.u32 s15  }
0x72: {  	s19 =	sadd.s32 $0x200, s19;
	v15 =	vsub.f32 v6, v19;
	v6 =	vmovc v5;
	v5 =	vmovc v7;
	v7 =	vmov v18;
	s15 =	smov.u32 s20;
	vm3 =	veq.f32 v8, v14;
	s21 =	spop (v2sf)  }
0x73: {  	(xrf0) =	vmax.scan.msk.f32 $0xffff, v13;
	_ =	sdelay $0x3  }
0x74: {  	s19 =	spop (v2sf);
	v16, _, _ =	vpop (xrf0)  }
0x75: {  	s19 =	sxor.u32 $0x80000000, s19;
	v19, _, _ =	vpop (xrf0)  }
0x76: {  	v18 =	vmov s19;
	v16 =	vbroadcast v16, $0xF;
	v20, _, _ =	vpop (xrf0)  }
0x77: {  	v21 =	vnsel vm3, $0x80000010, v1;
	vm5 =	veq.s32 v18, v0;
	v18 =	vbroadcast v20, $0xF  }
0x78: {  	(xrf0) =	vmin.scan.msk.u32 $0xffff, v21;
	v39 =	vsel vm5, $0xFF800000, v7;
	vm13 =	veq.f32 v17, v16  }
0x79: {  	(xrf0) =	vmax.scan.msk.f32 $0xffff, v39;
	v16 =	vnsel vm13, $0x80000010, v1;
	vm14 =	veq.f32 v13, v18  }
0x7a: {  	(xrf0) =	vmin.scan.msk.u32 $0xffff, v16;
	v40 =	vnsel vm14, $0x80000010, v1  }
0x7b: {  	(xrf0) =	vmin.scan.msk.u32 $0xffff, v40;
	_ =	sdelay $0x2  }
0x7c: {  	v15 =	vmul.f32 $1.442695020e+00, v15;
	v41, _, _ =	vpop (xrf0)  }
0x7d: {  	(v2sf) =	vpush v19, $0xF;
	v42, _, _ =	vpop (xrf0)  }
0x7e: {  	(erf) = vpow2.f32 v15;
	(v2sf) =	vpush v41, $0xF;
	v43, _, _ =	vpop (xrf0)  }
0x7f: {  	s31 =	spop (v2sf);
	(v2sf) =	vpush v43, $0xF;
	v44, _, _ =	vpop (xrf0)  }
0x80: {  	s20 =	spop (v2sf);
	(v2sf) =	vpush v44, $0xF  }
0x81: {  	s20 =	sxor.u32 $0x80000000, s20  }
0x82: {  	s21 =	sxor.u32 $0x80000000, s21;
	v46 =	vbroadcast v42, $0xF;
	v45 =	vmov s20  }
0x83: {  	v47 =	vmov s21;
	vm3 =	veq.s32 v45, v0  }
0x84: {  	vm6 =	veq.s32 v47, v0;
	s19 =	sxor.u32 $0x80000000, s31;
	vm7 =	veq.f32 v39, v46;
	v48 =	vsel vm3, $0xFF800000, v3  }
0x85: {  	v49 =	vpop (erf);
	vm2 =	vmor vm2, vm6;
	v50 =	vmov s19;
	v20 =	vnsel vm7, $0x80000010, v1;
	(xrf0) =	vmax.scan.msk.f32 $0xffff, v48  }
0x86: {  	vm15 =	vmmov vm4;
	v15 =	vnsel vm2, $0x0, v49;
	v16 =	vpop (erf);
	vm8 =	veq.s32 v50, v0;
	(xrf0) =	vmin.scan.msk.u32 $0xffff, v20  }
0x87: {  	(xrf2) =	vadd.scan.msk.f32 $0xffff, v15;
	v51 =	vpop (erf);
	vm2 =	vmor vm15, vm8  }
0x88: {  	v17 =	vnsel vm2, $0x0, v51  }
0x89: {  	(xrf2) =	vadd.scan.msk.f32 $0xffff, v17  }
0x8a: {  	v6 =	vsub.f32 v6, v10;
	v52, _, _ =	vpop (xrf2)  }
0x8b: {  	v53 =	vbroadcast v52, $0xF;
	v54, _, _ =	vpop (xrf0)  }
0x8c: {  	v6 =	vmul.f32 $1.442695020e+00, v6;
	s21 =	spop (v2sf);
	v55, _, _ =	vpop (xrf0)  }
0x8d: {  	(erf) = vrcp.f32 v53;
	s22 =	spop (v2sf);
	(v2sf) =	vpush v55, $0xF  }
0x8e: {  	(erf) = vpow2.f32 v6;
	s20 =	sxor.u32 $0x80000000, s22;
	s23 =	spop (v2sf)  }
0x8f: {  	v57 =	vbroadcast v54, $0xF;
	v56 =	vmov s20;
	s22 =	spop (v2sf)  }
0x90: {  	v5 =	vsub.f32 v5, v11;
	vm2 =	veq.s32 v56, v0;
	s24 =	sxor.u32 $0x80000000, s22  }
0x91: {  	v59, _, _ =	vpop (xrf2);
	vm9 =	veq.f32 v48, v57;
	v60 =	vsel vm2, $0xFF800000, v8;
	v58 =	vmov s24  }
0x92: {  	v6 =	vbroadcast v59, $0xF;
	v10 =	vnsel vm9, $0x80000010, v1;
	(xrf0) =	vmax.scan.msk.f32 $0xffff, v60;
	vm10 =	veq.s32 v58, v0  }
0x93: {  	v62 =	vsub.f32 v7, v12;
	v5 =	vmul.f32 $1.442695020e+00, v5;
	v61, _, _ =	vpop (xrf2);
	(xrf0) =	vmin.scan.msk.u32 $0xffff, v10;
	v63 =	vsel vm10, $0xFF800000, v13  }
0x94: {  	(erf) = vrcp.f32 v6;
	v23 =	vbroadcast v61, $0xF;
	(xrf0) =	vmax.scan.msk.f32 $0xffff, v63  }
0x95: {  	v24 =	vmul.f32 $1.442695020e+00, v62;
	(erf) = vpow2.f32 v5  }
0x96: {  	v25 =	vpop (erf);
	(erf) = vrcp.f32 v23  }
0x97: {  	vm1 =	vmmov vm1;
	vm0 =	vmmov vm0;
	v27 =	vpop (erf);
	(erf) = vpow2.f32 v24  }
0x98: {  	vm1 =	vmmov vm1;
	vm0 =	vmmov vm0;
	s19 =	sxor.u32 $0x80000000, s21;
	v28, _, _ =	vpop (xrf0)  }
0x99: {  	vm0 =	vmmov vm0;
	vm5 =	vmmov vm5;
	v26 =	vmov s19;
	v29, _, _ =	vpop (xrf0)  }
0x9a: {  	vm5 =	vmmov vm5;
	vm11 =	veq.s32 v26, v0;
	v5 =	vbroadcast v28, $0xF;
	v31, _, _ =	vpop (xrf0)  }
0x9b: {  	vm15 =	vmmov vm5;
	vm1 =	vmor vm1, vm11;
	s25 =	sxor.u32 $0x80000000, s23;
	v32 =	vbroadcast v31, $0xF  }
0x9c: {  	v12 =	vnsel vm1, $0x0, v27;
	v30 =	vmov s25;
	vm13 =	veq.f32 v60, v5;
	s26 =	spop (v2sf)  }
0x9d: {  	(xrf2) =	vadd.scan.msk.f32 $0xffff, v12;
	v33 =	vpop (erf);
	vm12 =	veq.s32 v30, v0;
	v11 =	vnsel vm13, $0x80000010, v1;
	s19 =	sxor.u32 $0x80000000, s26;
	vm14 =	veq.f32 v63, v32  }
0x9e: {  	v34 =	vpop (erf);
	vm0 =	vmor vm0, vm12;
	(xrf0) =	vmin.scan.msk.u32 $0xffff, v11;
	v35 =	vmov s19;
	v10 =	vnsel vm14, $0x80000010, v1  }
0x9f: {  	vm5 =	vmmov vm15;
	v19 =	vnsel vm0, $0x0, v34;
	v36 =	vpop (erf);
	vm6 =	veq.s32 v35, v0;
	(xrf0) =	vmin.scan.msk.u32 $0xffff, v10  }
0xa0: {  	(xrf2) =	vadd.scan.msk.f32 $0xffff, v19;
	v37 =	vpop (erf);
	vm0 =	vmor vm5, vm6  }
0xa1: {  	(v2sf) =	vpush v29, $0xF;
	v10 =	vnsel vm0, $0x0, v37  }
0xa2: {  	(xrf2) =	vadd.scan.msk.f32 $0xffff, v10;
	_ =	sdelay $0x1  }
0xa3: {  	v38, _, _ =	vpop (xrf0)  }
0xa4: {  	(v2sf) =	vpush v38, $0xF;
	v39, _, _ =	vpop (xrf0)  }
0xa5: {  	(v2sf) =	vpush v39, $0xF;
	_ =	sdelay $0x1  }
0xa6: {  	v3 =	vsub.f32 v3, v9;
	v40, _, _ =	vpop (xrf2)  }
0xa7: {  	v6 =	vbroadcast v40, $0xF  }
0xa8: {  	v42 =	vsub.f32 v8, v14;
	v3 =	vmul.f32 $1.442695020e+00, v3;
	v41, _, _ =	vpop (xrf2)  }
0xa9: {  	(erf) = vrcp.f32 v6;
	v43 =	vbroadcast v41, $0xF  }
0xaa: {  	v45 =	vsub.f32 v13, v18;
	(erf) = vpow2.f32 v3;
	v3 =	vmul.f32 $1.442695020e+00, v42;
	v44, _, _ =	vpop (xrf2)  }
0xab: {  	(erf) = vrcp.f32 v43;
	v46 =	vbroadcast v44, $0xF  }
0xac: {  	(erf) = vpow2.f32 v3;
	v3 =	vmul.f32 $1.442695020e+00, v45  }
0xad: {  	(erf) = vrcp.f32 v46  }
0xae: {  	s28 =	spop (v2sf);
	(erf) = vpow2.f32 v3  }
0xaf: {  	vm8 =	vmmov vm2;
	s19 =	sxor.u32 $0x80000000, s28  }
0xb0: {  	vm1 =	vmmov vm8;
	v3 =	vmov s19  }
0xb1: {  	vm7 =	vmmov vm3;
	vm1 =	vmmov vm1;
	vm9 =	vmmov vm10  }
0xb2: {  	vm11 =	vmmov vm1;
	vm2 =	vmmov vm9;
	v47 =	vpop (erf);
	vm0 =	vmmov vm7;
	s29 =	spop (v2sf)  }
0xb3: {  	vm12 =	vmmov vm2;
	vm0 =	vmmov vm0;
	s19 =	sxor.u32 $0x80000000, s29;
	vm10 =	veq.s32 v3, v0;
	v3 =	vpop (erf);
	s30 =	spop (v2sf)  }
0xb4: {  	vm1 =	vmmov vm12;
	vm0 =	vmmov vm0;
	v49 =	vmov s19;
	v48 =	vpop (erf);
	s31 =	sxor.u32 $0x80000000, s30  }
0xb5: {  	vm0 =	vmor vm0, vm10;
	vm13 =	veq.s32 v49, v0;
	v50 =	vpop (erf);
	v51 =	vmov s31  }
0xb6: {  	v3 =	vnsel vm0, $0x0, v3;
	vm0 =	vmor vm11, vm13;
	v52 =	vpop (erf);
	vm14 =	veq.s32 v51, v0  }
0xb7: {  	(xrf2) =	vadd.scan.msk.f32 $0xffff, v3;
	v53 =	vnsel vm0, $0x0, v50;
	v54 =	vpop (erf);
	vm15 =	vmor vm1, vm14  }
0xb8: {  	(xrf2) =	vadd.scan.msk.f32 $0xffff, v53;
	v11 =	vnsel vm15, $0x0, v54  }
0xb9: {  	(xrf2) =	vadd.scan.msk.f32 $0xffff, v11;
	_ =	sdelay $0x7  }
0xba: {  	v55, _, _ =	vpop (xrf2)  }
0xbb: {  	v14 =	vbroadcast v55, $0xF;
	v56, _, _ =	vpop (xrf2)  }
0xbc: {  	v18 =	vbroadcast v56, $0xF;
	v57, _, _ =	vpop (xrf2)  }
0xbd: {  	(erf) = vrcp.f32 v14;
	v58 =	vbroadcast v57, $0xF  }
0xbe: {  	(erf) = vrcp.f32 v18  }
0xbf: {  	(erf) = vrcp.f32 v58  }
0xc0: {  	v2 =	vmul.f32 v16, v2  }
0xc1: {  	v4 =	vmul.f32 v25, v4  }
0xc2: {  	[tilespmem:s9+$0x8000] =	vst v2;
	v2 =	vmul.f32 v33, v15  }
0xc3: {  	[tilespmem:s10+$0x8000] =	vst v4;
	v59 =	vmul.f32 v36, v17  }
0xc4: {  	[tilespmem:s11+$0x8000] =	vst v2;
	v2 =	vmul.f32 v47, v12  }
0xc5: {  	[tilespmem:s12+$0x8000] =	vst v59;
	v60 =	vmul.f32 v48, v19  }
0xc6: {  	[tilespmem:s13+$0x8000] =	vst v2;
	v2 =	vmul.f32 v52, v10;
	v61 =	vpop (erf)  }
0xc7: {  	[tilespmem:s14+$0x8000] =	vst v60;
	v3 =	vmul.f32 v61, v3;
	v62 =	vpop (erf)  }
0xc8: {  	[tilespmem:s15+$0x8000] =	vst v2;
	v2 =	vmul.f32 v62, v53;
	v63 =	vpop (erf)  }
0xc9: {  	s8 =	sadd.s32 $0x1, s8;
	[tilespmem:s16+$0x8000] =	vst v3;
	v3 =	vmul.f32 v63, v11  }
0xca: {  	p0 =	sne.s32 s8, s5;
	[tilespmem:s17+$0x8000] =	vst v2  }
.Ltmp1:
0xcb: {  	[tilespmem:s18+$0x8000] =	vst v3;
	(pc) =	sbr.rel @p0 .LBB2_1-.Ltmp1, $4  }
0xcc: {  	[hbm4b:s4+s2] =	stream.linear.scatter [tilespmem:s7], [sflag:$0x1], $0x8000, $0x38;
	[tilespmem:$0x10000] =	vst v63  }
0xcd: {  	_ =	swait.ge [sflag:s6], $0x8000  }
0xce: {  	[sflag:s6] =	ssyncset.done $0x0  }
0xcf: {  	[sflag:s6] =	ssyncadd.s32 $0xFFFF8000  }
0xd0: {  	_ =	sfence.sel $0x180000  }
0xd1: {  	[bflag:$0x0] =	sbarrier.arrive $0xFFFF  }
0xd2: {  	p0 =	sne.s32 s1, $0x0;
	_ =	strace $0x90000047  }
0xd3: {  	s0 =	sadd.s32 @!p0 $0x100000, s0;
	[bflag:$0x2] =	sbarrier.arrive $0xFFFF  }
0xd4: {  	[sflag:s0] =	ssyncadd.tile.s32 @!p0 $0x1;
	_ =	shalt  }
.Lfunc_end2:
_tile_overlayer_lowered:
.L_overlay_start_2:
0xd5: {  	(tag) =	ssettag $0x2  }
0xd6: {  	s0 =	rddreg [dreg:$0x0];
	s2 =	stileid.u32  }
0xd7: {  	s1 =	rddreg [dreg:$0x1];
	p0 =	sne.s32 s2, $0x0  }
0xd8: {  	s3 =	rddreg [dreg:$0x2];
	[bflag:$0x3] =	sbarrier.arrive $0xFFFF;
	s2 =	simm.s32 @!p0 $0x1C01  }
0xd9: {  	[timem:s3], [sflag:s2] =	dma.local @!p0 [hbm:s0], s1  }
0xda: {  	s0 =	simm.s32 @!p0 $0x1  }
0xdb: {  	_ =	swait.ge @!p0 [sflag:s0], s1  }
0xdc: {  	s1 =	ssub.s32 @!p0 $0x0, s1;
	[sflag:s0] =	ssyncset.done @!p0 $0x0  }
0xdd: {  	[sflag:s0] =	ssyncadd.s32 @!p0 s1  }
0xde: {  	[bflag:$0x3] =	sbarrier.arrive $0xFFFF  }
0xdf: {  	_ =	shalt  }

</sc_bundles>
